<compile_context>
chip_gen: v7x
topology: tpu7x:2x2x1
jax: 0.10.2.dev20260603
libtpu: 0.0.44.dev20260713+nightly
codegen_flags: <defaults>
</compile_context>

<pallas_src>
import functools

import jax
import jax.numpy as jnp
from jax import lax
from jax.experimental import pallas as pl
from jax.experimental.pallas import tpu as pltpu
from jax.experimental.pallas import tpu_sc as plsc

N = 100000
E = 6400000
D = 3

NP = 100352
NW = 32
B = 2048
NCHUNK = E // B
GMAX = -(-NCHUNK // NW)
SEG = NP // 16


def _sc_body(px_hbm, py_hbm, pz_hbm, ei_hbm, ew_hbm, interm, maxima,
             shx, shy, shz, idxr, idxc, xr, yr, zr, xc, yc, zc,
             ewbuf, outflat, accbuf, zbuf):
    cid = lax.axis_index("c")
    sid = lax.axis_index("s")
    wid = sid * 2 + cid

    sl = pl.ds(sid * SEG, SEG)
    pltpu.sync_copy(px_hbm.at[sl], shx.at[sl])
    pltpu.sync_copy(py_hbm.at[sl], shy.at[sl])
    pltpu.sync_copy(pz_hbm.at[sl], shz.at[sl])
    plsc.subcore_barrier()

    accbuf[...] = jnp.zeros((16,), jnp.float32)
    zbuf[...] = jnp.zeros((16,), jnp.float32)

    iota = lax.iota(jnp.int32, 16)
    iota4 = iota * 4

    def chunk(g, carry):
        cidx = wid + g * NW

        @pl.when(cidx < NCHUNK)
        def _():
            base = cidx * B
            pltpu.sync_copy(ei_hbm.at[0, pl.ds(base, B)], idxr)
            pltpu.sync_copy(ei_hbm.at[1, pl.ds(base, B)], idxc)
            pltpu.sync_copy(ew_hbm.at[pl.ds(base, B)], ewbuf)
            pltpu.sync_copy(shx.at[idxr], xr)
            pltpu.sync_copy(shy.at[idxr], yr)
            pltpu.sync_copy(shz.at[idxr], zr)
            pltpu.sync_copy(shx.at[idxc], xc)
            pltpu.sync_copy(shy.at[idxc], yc)
            pltpu.sync_copy(shz.at[idxc], zc)

            def inner(j, acc):
                e = pl.ds(j * 16, 16)
                dx = xc[e] - xr[e]
                dy = yc[e] - yr[e]
                dz = zc[e] - zr[e]
                w = ewbuf[e]
                ob = iota4 + j * 64
                plsc.store_scatter(outflat, [ob], dx)
                plsc.store_scatter(outflat, [ob + 1], dy)
                plsc.store_scatter(outflat, [ob + 2], dz)
                plsc.store_scatter(outflat, [ob + 3], w)
                acc = jnp.maximum(acc, jnp.abs(dx))
                acc = jnp.maximum(acc, jnp.abs(dy))
                acc = jnp.maximum(acc, jnp.abs(dz))
                return acc

            cmax = lax.fori_loop(0, B // 16, inner, jnp.zeros((16,), jnp.float32))
            accbuf[...] = jnp.maximum(accbuf[...], cmax)
            pltpu.sync_copy(outflat, interm.at[pl.ds(base * 4, B * 4)])

        return carry

    lax.fori_loop(0, GMAX, chunk, 0)
    pltpu.sync_copy(accbuf, maxima.at[pl.ds(wid * 16, 16)])
    pltpu.sync_copy(zbuf, maxima.at[pl.ds(512 + wid * 16, 16)])


@jax.jit
def _sc_phase(px, py, pz, ei, ew):
    f = pl.kernel(
        _sc_body,
        out_type=(
            jax.ShapeDtypeStruct((E * 4,), jnp.float32),
            jax.ShapeDtypeStruct((1024,), jnp.float32),
        ),
        mesh=plsc.VectorSubcoreMesh(core_axis_name="c", subcore_axis_name="s"),
        compiler_params=pltpu.CompilerParams(needs_layout_passes=False),
        scratch_types=[
            pltpu.VMEM_SHARED((NP,), jnp.float32),
            pltpu.VMEM_SHARED((NP,), jnp.float32),
            pltpu.VMEM_SHARED((NP,), jnp.float32),
            pltpu.VMEM((B,), jnp.int32),
            pltpu.VMEM((B,), jnp.int32),
            pltpu.VMEM((B,), jnp.float32),
            pltpu.VMEM((B,), jnp.float32),
            pltpu.VMEM((B,), jnp.float32),
            pltpu.VMEM((B,), jnp.float32),
            pltpu.VMEM((B,), jnp.float32),
            pltpu.VMEM((B,), jnp.float32),
            pltpu.VMEM((B,), jnp.float32),
            pltpu.VMEM((B * 4,), jnp.float32),
            pltpu.VMEM((16,), jnp.float32),
            pltpu.VMEM((16,), jnp.float32),
        ],
    )
    return f(px, py, pz, ei, ew)


def _tc_body(x_ref, m_ref, o_ref):
    mx = jnp.max(m_ref[...])
    s = 1.0 / (2.0 * mx)
    x = x_ref[...]
    col = lax.broadcasted_iota(jnp.int32, x.shape, 1)
    isw = (col & 3) == 3
    o_ref[...] = jnp.where(isw, x, x * s + 0.5)


@jax.jit
def _tc_phase(x, m):
    rows = x.shape[0]
    blk = 1000
    return pl.pallas_call(
        _tc_body,
        grid=(rows // blk,),
        in_specs=[
            pl.BlockSpec((blk, 512), lambda i: (i, 0)),
            pl.BlockSpec((8, 128), lambda i: (0, 0)),
        ],
        out_specs=pl.BlockSpec((blk, 512), lambda i: (i, 0)),
        out_shape=jax.ShapeDtypeStruct((rows, 512), jnp.float32),
    )(x, m)


def kernel(pos, edge_index, edge_weight):
    pos_pad = jnp.pad(pos, ((0, NP - N), (0, 0)))
    px = pos_pad[:, 0]
    py = pos_pad[:, 1]
    pz = pos_pad[:, 2]
    ei = edge_index.astype(jnp.int32)
    interm, maxima = _sc_phase(px, py, pz, ei, edge_weight)
    x = interm.reshape(E * 4 // 512, 512)
    m = maxima.reshape(8, 128)
    out = _tc_phase(x, m)
    return out.reshape(E, 4)

# --- scband reference (transcript-rebuilt; emitter-appended) ---
"""Pipeline reference for scband-cartesian-38465727103551 (READ-ONLY COPY).

The authoritative reference and input builder live on the scoring server;
editing this copy changes nothing except your own understanding.
"""

import jax, jax.numpy as jnp
import numpy as np

N = 100000
E = 6400000
D = 3

def setup_inputs(seed: int = 0) -> dict:
    key = jax.random.key(seed)
    k1, k2, k3 = jax.random.split(key, 3)
    pos = jax.random.normal(k1, (N, D), dtype=jnp.float32)
    edge_index = jax.random.randint(k2, (2, E), 0, N, dtype=jnp.int64)
    edge_weight = jax.random.uniform(k3, (E,), dtype=jnp.float32)
    return {"pos": pos, "edge_index": edge_index, "edge_weight": edge_weight}

def reference(pos, edge_index, edge_weight):
    # Cartesian with r=None, trainable=False
    row = edge_index[0]
    col = edge_index[1]
    weight = jnp.take(pos, col, axis=0) - jnp.take(pos, row, axis=0)
    mx = jnp.abs(weight).max()
    weight = weight * (1.0 / (2.0 * mx))
    weight = weight + 0.5
    # data.weight is not None -> concatenate along feature dim
    new_weight = jnp.concatenate([weight, edge_weight[:, None]], axis=1)
    return new_weight

if __name__ == "__main__":
    import jax
    _d = setup_inputs()
    print(jax.jit(kernel)(*tuple(_d.values())))

</pallas_src>

<mosaic_0001>
#map = affine_map<(d0, d1) -> (0)>
#map1 = affine_map<(d0, d1) -> (0, 0)>
module attributes {stable_mosaic.version = 14 : i64} {
  func.func @_sc_body(%arg0: i32, %arg1: i32, %arg2: memref<100352xf32, #tpu.memory_space<hbm>>, %arg3: memref<100352xf32, #tpu.memory_space<hbm>>, %arg4: memref<100352xf32, #tpu.memory_space<hbm>>, %arg5: memref<2x6400000xi32, #tpu.memory_space<hbm>>, %arg6: memref<6400000xf32, #tpu.memory_space<hbm>>, %arg7: memref<25600000xf32, #tpu.memory_space<hbm>>, %arg8: memref<1024xf32, #tpu.memory_space<hbm>>, %arg9: memref<100352xf32, #tpu.memory_space<vmem_shared>>, %arg10: memref<100352xf32, #tpu.memory_space<vmem_shared>>, %arg11: memref<100352xf32, #tpu.memory_space<vmem_shared>>, %arg12: memref<2048xi32, #tpu.memory_space<vmem>>, %arg13: memref<2048xi32, #tpu.memory_space<vmem>>, %arg14: memref<2048xf32, #tpu.memory_space<vmem>>, %arg15: memref<2048xf32, #tpu.memory_space<vmem>>, %arg16: memref<2048xf32, #tpu.memory_space<vmem>>, %arg17: memref<2048xf32, #tpu.memory_space<vmem>>, %arg18: memref<2048xf32, #tpu.memory_space<vmem>>, %arg19: memref<2048xf32, #tpu.memory_space<vmem>>, %arg20: memref<2048xf32, #tpu.memory_space<vmem>>, %arg21: memref<8192xf32, #tpu.memory_space<vmem>>, %arg22: memref<16xf32, #tpu.memory_space<vmem>>, %arg23: memref<16xf32, #tpu.memory_space<vmem>>) attributes {dimension_semantics = [#tpu.dimension_semantics<core_parallel>, #tpu.dimension_semantics<subcore_parallel>], iteration_bounds = array<i64: 2, 16>, scalar_prefetch = 0 : i64, scratch_operands = 15 : i64, tpu.core_type = #tpu.core_type<sc_vector_subcore>, window_params = [{transform_indices = #map}, {transform_indices = #map}, {transform_indices = #map}, {transform_indices = #map1}, {transform_indices = #map}, {transform_indices = #map}, {transform_indices = #map}]} {
    %mul3A = arith.constant 2 : i32
    %mul3A_0 = arith.muli %arg1, %mul3A : i32
    %add3A = arith.addi %mul3A_0, %arg0 : i32
    %mul3A_1 = arith.constant 6272 : i32
    %mul3A_2 = arith.muli %arg1, %mul3A_1 : i32
    "tpu.region"() ({
      %run_scoped3A = tpu.sem_alloc : memref<!tpu.dma_semaphore, #tpu.memory_space<semaphore_mem>>
      %dma_start3A = tpu.memref_slice %arg9[%mul3A_2] : memref<100352xf32, #tpu.memory_space<vmem_shared>> -> memref<6272xf32, #tpu.memory_space<vmem_shared>>
      %dma_start3A_23 = tpu.memref_slice %arg2[%mul3A_2] : memref<100352xf32, #tpu.memory_space<hbm>> -> memref<6272xf32, #tpu.memory_space<hbm>>
      tpu.enqueue_dma source(%dma_start3A_23 : memref<6272xf32, #tpu.memory_space<hbm>>) target(%dma_start3A : memref<6272xf32, #tpu.memory_space<vmem_shared>>) target_semaphore(%run_scoped3A : memref<!tpu.dma_semaphore, #tpu.memory_space<semaphore_mem>>)
      %dma_wait3A = tpu.memref_slice %arg9[%mul3A_2] : memref<100352xf32, #tpu.memory_space<vmem_shared>> -> memref<6272xf32, #tpu.memory_space<vmem_shared>>
      %dma_wait3A_24 = tpu.memref_slice %arg2[%mul3A_2] : memref<100352xf32, #tpu.memory_space<hbm>> -> memref<6272xf32, #tpu.memory_space<hbm>>
      tpu.wait_dma2 semaphore(%run_scoped3A : memref<!tpu.dma_semaphore, #tpu.memory_space<semaphore_mem>>) src(%dma_wait3A_24 : memref<6272xf32, #tpu.memory_space<hbm>>) dst(%dma_wait3A : memref<6272xf32, #tpu.memory_space<vmem_shared>>)
      tpu.yield
    }) : () -> ()
    "tpu.region"() ({
      %run_scoped3A = tpu.sem_alloc : memref<!tpu.dma_semaphore, #tpu.memory_space<semaphore_mem>>
      %dma_start3A = tpu.memref_slice %arg10[%mul3A_2] : memref<100352xf32, #tpu.memory_space<vmem_shared>> -> memref<6272xf32, #tpu.memory_space<vmem_shared>>
      %dma_start3A_23 = tpu.memref_slice %arg3[%mul3A_2] : memref<100352xf32, #tpu.memory_space<hbm>> -> memref<6272xf32, #tpu.memory_space<hbm>>
      tpu.enqueue_dma source(%dma_start3A_23 : memref<6272xf32, #tpu.memory_space<hbm>>) target(%dma_start3A : memref<6272xf32, #tpu.memory_space<vmem_shared>>) target_semaphore(%run_scoped3A : memref<!tpu.dma_semaphore, #tpu.memory_space<semaphore_mem>>)
      %dma_wait3A = tpu.memref_slice %arg10[%mul3A_2] : memref<100352xf32, #tpu.memory_space<vmem_shared>> -> memref<6272xf32, #tpu.memory_space<vmem_shared>>
      %dma_wait3A_24 = tpu.memref_slice %arg3[%mul3A_2] : memref<100352xf32, #tpu.memory_space<hbm>> -> memref<6272xf32, #tpu.memory_space<hbm>>
      tpu.wait_dma2 semaphore(%run_scoped3A : memref<!tpu.dma_semaphore, #tpu.memory_space<semaphore_mem>>) src(%dma_wait3A_24 : memref<6272xf32, #tpu.memory_space<hbm>>) dst(%dma_wait3A : memref<6272xf32, #tpu.memory_space<vmem_shared>>)
      tpu.yield
    }) : () -> ()
    "tpu.region"() ({
      %run_scoped3A = tpu.sem_alloc : memref<!tpu.dma_semaphore, #tpu.memory_space<semaphore_mem>>
      %dma_start3A = tpu.memref_slice %arg11[%mul3A_2] : memref<100352xf32, #tpu.memory_space<vmem_shared>> -> memref<6272xf32, #tpu.memory_space<vmem_shared>>
      %dma_start3A_23 = tpu.memref_slice %arg4[%mul3A_2] : memref<100352xf32, #tpu.memory_space<hbm>> -> memref<6272xf32, #tpu.memory_space<hbm>>
      tpu.enqueue_dma source(%dma_start3A_23 : memref<6272xf32, #tpu.memory_space<hbm>>) target(%dma_start3A : memref<6272xf32, #tpu.memory_space<vmem_shared>>) target_semaphore(%run_scoped3A : memref<!tpu.dma_semaphore, #tpu.memory_space<semaphore_mem>>)
      %dma_wait3A = tpu.memref_slice %arg11[%mul3A_2] : memref<100352xf32, #tpu.memory_space<vmem_shared>> -> memref<6272xf32, #tpu.memory_space<vmem_shared>>
      %dma_wait3A_24 = tpu.memref_slice %arg4[%mul3A_2] : memref<100352xf32, #tpu.memory_space<hbm>> -> memref<6272xf32, #tpu.memory_space<hbm>>
      tpu.wait_dma2 semaphore(%run_scoped3A : memref<!tpu.dma_semaphore, #tpu.memory_space<semaphore_mem>>) src(%dma_wait3A_24 : memref<6272xf32, #tpu.memory_space<hbm>>) dst(%dma_wait3A : memref<6272xf32, #tpu.memory_space<vmem_shared>>)
      tpu.yield
    }) : () -> ()
    %barrier3A = arith.constant 0 : index
    tpu.barrier barrier_id(%barrier3A)
    %broadcast_in_dim3A = arith.constant 0.000000e+00 : f32
    %broadcast_in_dim3A_3 = vector.broadcast %broadcast_in_dim3A : f32 to vector<16xf32>
    %swap3A = arith.constant 0 : index
    %swap3A_4 = tpu.vector_load %arg22[%swap3A] {strides = array<i32>} : memref<16xf32, #tpu.memory_space<vmem>>, vector<16xf32>,
    tpu.vector_store %arg22[%swap3A], %broadcast_in_dim3A_3 {strides = array<i32>} : memref<16xf32, #tpu.memory_space<vmem>>, vector<16xf32>,
    %broadcast_in_dim3A_5 = arith.constant 0.000000e+00 : f32
    %broadcast_in_dim3A_6 = vector.broadcast %broadcast_in_dim3A_5 : f32 to vector<16xf32>
    %swap3A_7 = arith.constant 0 : index
    %swap3A_8 = tpu.vector_load %arg23[%swap3A_7] {strides = array<i32>} : memref<16xf32, #tpu.memory_space<vmem>>, vector<16xf32>,
    tpu.vector_store %arg23[%swap3A_7], %broadcast_in_dim3A_6 {strides = array<i32>} : memref<16xf32, #tpu.memory_space<vmem>>, vector<16xf32>,
    %iota3A = tpu.iota {dimensions = array<i32: 0>} : vector<16xi32>
    %mul3A_9 = arith.constant 4 : i32
    %mul3A_10 = vector.broadcast %mul3A_9 : i32 to vector<16xi32>
    %mul3A_11 = arith.muli %iota3A, %mul3A_10 : vector<16xi32>
    %scan3A = arith.constant 0 : i32
    %scan3A_12 = arith.constant 0 : i32
    %scan3A_13 = arith.constant 98 : i32
    %scan3A_14 = arith.addi %scan3A_12, %scan3A_13 : i32
    %scan3A_15 = arith.constant 1 : i32
    scf.for %scan3A_23 = %scan3A_12 to %scan3A_14 step %scan3A_15  : i32 {
      %mul3A_24 = arith.constant 32 : i32
      %mul3A_25 = arith.muli %scan3A_23, %mul3A_24 : i32
      %add3A_26 = arith.addi %add3A, %mul3A_25 : i32
      %lt3A = arith.constant 3125 : i32
      %lt3A_27 = arith.cmpi slt, %add3A_26, %lt3A : i32
      %convert_element_type3A = arith.extui %lt3A_27 : i1 to i32
      %cond3A = arith.constant 0 : i32
      %cond3A_28 = arith.cmpi ne, %convert_element_type3A, %cond3A : i32
      scf.if %cond3A_28 {
        %mul3A_29 = arith.constant 2048 : i32
        %mul3A_30 = arith.muli %add3A_26, %mul3A_29 : i32
        %run_scoped3A = arith.constant 0 : i32
        "tpu.region"() ({
          %run_scoped3A_45 = tpu.sem_alloc : memref<!tpu.dma_semaphore, #tpu.memory_space<semaphore_mem>>
          %dma_start3A = tpu.memref_slice %arg5[%run_scoped3A, %mul3A_30] : memref<2x6400000xi32, #tpu.memory_space<hbm>> -> memref<1x2048xi32, #tpu.memory_space<hbm>>
          %dma_start3A_46 = tpu.memref_squeeze %dma_start3A : memref<1x2048xi32, #tpu.memory_space<hbm>> -> memref<2048xi32, #tpu.memory_space<hbm>>
          %dma_start3A_47 = tpu.memref_slice %arg5[%run_scoped3A, %mul3A_30] : memref<2x6400000xi32, #tpu.memory_space<hbm>> -> memref<1x2048xi32, #tpu.memory_space<hbm>>
          %dma_start3A_48 = tpu.memref_squeeze %dma_start3A_47 : memref<1x2048xi32, #tpu.memory_space<hbm>> -> memref<2048xi32, #tpu.memory_space<hbm>>
          tpu.enqueue_dma source(%dma_start3A_48 : memref<2048xi32, #tpu.memory_space<hbm>>) target(%arg12 : memref<2048xi32, #tpu.memory_space<vmem>>) target_semaphore(%run_scoped3A_45 : memref<!tpu.dma_semaphore, #tpu.memory_space<semaphore_mem>>)
          %dma_wait3A = tpu.memref_slice %arg5[%run_scoped3A, %mul3A_30] : memref<2x6400000xi32, #tpu.memory_space<hbm>> -> memref<1x2048xi32, #tpu.memory_space<hbm>>
          %dma_wait3A_49 = tpu.memref_squeeze %dma_wait3A : memref<1x2048xi32, #tpu.memory_space<hbm>> -> memref<2048xi32, #tpu.memory_space<hbm>>
          %dma_wait3A_50 = tpu.memref_slice %arg5[%run_scoped3A, %mul3A_30] : memref<2x6400000xi32, #tpu.memory_space<hbm>> -> memref<1x2048xi32, #tpu.memory_space<hbm>>
          %dma_wait3A_51 = tpu.memref_squeeze %dma_wait3A_50 : memref<1x2048xi32, #tpu.memory_space<hbm>> -> memref<2048xi32, #tpu.memory_space<hbm>>
          tpu.wait_dma2 semaphore(%run_scoped3A_45 : memref<!tpu.dma_semaphore, #tpu.memory_space<semaphore_mem>>) src(%dma_wait3A_51 : memref<2048xi32, #tpu.memory_space<hbm>>) dst(%arg12 : memref<2048xi32, #tpu.memory_space<vmem>>)
          tpu.yield
        }) : () -> ()
        %run_scoped3A_31 = arith.constant 1 : i32
        "tpu.region"() ({
          %run_scoped3A_45 = tpu.sem_alloc : memref<!tpu.dma_semaphore, #tpu.memory_space<semaphore_mem>>
          %dma_start3A = tpu.memref_slice %arg5[%run_scoped3A_31, %mul3A_30] : memref<2x6400000xi32, #tpu.memory_space<hbm>> -> memref<1x2048xi32, #tpu.memory_space<hbm>>
          %dma_start3A_46 = tpu.memref_squeeze %dma_start3A : memref<1x2048xi32, #tpu.memory_space<hbm>> -> memref<2048xi32, #tpu.memory_space<hbm>>
          %dma_start3A_47 = tpu.memref_slice %arg5[%run_scoped3A_31, %mul3A_30] : memref<2x6400000xi32, #tpu.memory_space<hbm>> -> memref<1x2048xi32, #tpu.memory_space<hbm>>
          %dma_start3A_48 = tpu.memref_squeeze %dma_start3A_47 : memref<1x2048xi32, #tpu.memory_space<hbm>> -> memref<2048xi32, #tpu.memory_space<hbm>>
          tpu.enqueue_dma source(%dma_start3A_48 : memref<2048xi32, #tpu.memory_space<hbm>>) target(%arg13 : memref<2048xi32, #tpu.memory_space<vmem>>) target_semaphore(%run_scoped3A_45 : memref<!tpu.dma_semaphore, #tpu.memory_space<semaphore_mem>>)
          %dma_wait3A = tpu.memref_slice %arg5[%run_scoped3A_31, %mul3A_30] : memref<2x6400000xi32, #tpu.memory_space<hbm>> -> memref<1x2048xi32, #tpu.memory_space<hbm>>
          %dma_wait3A_49 = tpu.memref_squeeze %dma_wait3A : memref<1x2048xi32, #tpu.memory_space<hbm>> -> memref<2048xi32, #tpu.memory_space<hbm>>
          %dma_wait3A_50 = tpu.memref_slice %arg5[%run_scoped3A_31, %mul3A_30] : memref<2x6400000xi32, #tpu.memory_space<hbm>> -> memref<1x2048xi32, #tpu.memory_space<hbm>>
          %dma_wait3A_51 = tpu.memref_squeeze %dma_wait3A_50 : memref<1x2048xi32, #tpu.memory_space<hbm>> -> memref<2048xi32, #tpu.memory_space<hbm>>
          tpu.wait_dma2 semaphore(%run_scoped3A_45 : memref<!tpu.dma_semaphore, #tpu.memory_space<semaphore_mem>>) src(%dma_wait3A_51 : memref<2048xi32, #tpu.memory_space<hbm>>) dst(%arg13 : memref<2048xi32, #tpu.memory_space<vmem>>)
          tpu.yield
        }) : () -> ()
        "tpu.region"() ({
          %run_scoped3A_45 = tpu.sem_alloc : memref<!tpu.dma_semaphore, #tpu.memory_space<semaphore_mem>>
          %dma_start3A = tpu.memref_slice %arg6[%mul3A_30] : memref<6400000xf32, #tpu.memory_space<hbm>> -> memref<2048xf32, #tpu.memory_space<hbm>>
          %dma_start3A_46 = tpu.memref_slice %arg6[%mul3A_30] : memref<6400000xf32, #tpu.memory_space<hbm>> -> memref<2048xf32, #tpu.memory_space<hbm>>
          tpu.enqueue_dma source(%dma_start3A_46 : memref<2048xf32, #tpu.memory_space<hbm>>) target(%arg20 : memref<2048xf32, #tpu.memory_space<vmem>>) target_semaphore(%run_scoped3A_45 : memref<!tpu.dma_semaphore, #tpu.memory_space<semaphore_mem>>)
          %dma_wait3A = tpu.memref_slice %arg6[%mul3A_30] : memref<6400000xf32, #tpu.memory_space<hbm>> -> memref<2048xf32, #tpu.memory_space<hbm>>
          %dma_wait3A_47 = tpu.memref_slice %arg6[%mul3A_30] : memref<6400000xf32, #tpu.memory_space<hbm>> -> memref<2048xf32, #tpu.memory_space<hbm>>
          tpu.wait_dma2 semaphore(%run_scoped3A_45 : memref<!tpu.dma_semaphore, #tpu.memory_space<semaphore_mem>>) src(%dma_wait3A_47 : memref<2048xf32, #tpu.memory_space<hbm>>) dst(%arg20 : memref<2048xf32, #tpu.memory_space<vmem>>)
          tpu.yield
        }) : () -> ()
        "tpu.region"() ({
          %run_scoped3A_45 = tpu.sem_alloc : memref<!tpu.dma_semaphore, #tpu.memory_space<semaphore_mem>>
          %dma_start3A = arith.constant 0 : i32
          %dma_start3A_46 = tpu.memref_slice %arg9[%dma_start3A] : memref<100352xf32, #tpu.memory_space<vmem_shared>> -> memref<100352xf32, #tpu.memory_space<vmem_shared>>
          tpu.enqueue_indirect_dma source(%dma_start3A_46 : memref<100352xf32, #tpu.memory_space<vmem_shared>>) target(%arg14 : memref<2048xf32, #tpu.memory_space<vmem>>) offsets(%arg12 : memref<2048xi32, #tpu.memory_space<vmem>>) semaphore(%run_scoped3A_45 : memref<!tpu.dma_semaphore, #tpu.memory_space<semaphore_mem>>)
          %dma_wait3A = arith.constant 0 : i32
          %dma_wait3A_47 = tpu.memref_slice %arg9[%dma_wait3A] : memref<100352xf32, #tpu.memory_space<vmem_shared>> -> memref<100352xf32, #tpu.memory_space<vmem_shared>>
          tpu.wait_indirect_dma semaphore(%run_scoped3A_45 : memref<!tpu.dma_semaphore, #tpu.memory_space<semaphore_mem>>) src(%dma_wait3A_47 : memref<100352xf32, #tpu.memory_space<vmem_shared>>) dst(%arg14 : memref<2048xf32, #tpu.memory_space<vmem>>)
          tpu.yield
        }) : () -> ()
        "tpu.region"() ({
          %run_scoped3A_45 = tpu.sem_alloc : memref<!tpu.dma_semaphore, #tpu.memory_space<semaphore_mem>>
          %dma_start3A = arith.constant 0 : i32
          %dma_start3A_46 = tpu.memref_slice %arg10[%dma_start3A] : memref<100352xf32, #tpu.memory_space<vmem_shared>> -> memref<100352xf32, #tpu.memory_space<vmem_shared>>
          tpu.enqueue_indirect_dma source(%dma_start3A_46 : memref<100352xf32, #tpu.memory_space<vmem_shared>>) target(%arg15 : memref<2048xf32, #tpu.memory_space<vmem>>) offsets(%arg12 : memref<2048xi32, #tpu.memory_space<vmem>>) semaphore(%run_scoped3A_45 : memref<!tpu.dma_semaphore, #tpu.memory_space<semaphore_mem>>)
          %dma_wait3A = arith.constant 0 : i32
          %dma_wait3A_47 = tpu.memref_slice %arg10[%dma_wait3A] : memref<100352xf32, #tpu.memory_space<vmem_shared>> -> memref<100352xf32, #tpu.memory_space<vmem_shared>>
          tpu.wait_indirect_dma semaphore(%run_scoped3A_45 : memref<!tpu.dma_semaphore, #tpu.memory_space<semaphore_mem>>) src(%dma_wait3A_47 : memref<100352xf32, #tpu.memory_space<vmem_shared>>) dst(%arg15 : memref<2048xf32, #tpu.memory_space<vmem>>)
          tpu.yield
        }) : () -> ()
        "tpu.region"() ({
          %run_scoped3A_45 = tpu.sem_alloc : memref<!tpu.dma_semaphore, #tpu.memory_space<semaphore_mem>>
          %dma_start3A = arith.constant 0 : i32
          %dma_start3A_46 = tpu.memref_slice %arg11[%dma_start3A] : memref<100352xf32, #tpu.memory_space<vmem_shared>> -> memref<100352xf32, #tpu.memory_space<vmem_shared>>
          tpu.enqueue_indirect_dma source(%dma_start3A_46 : memref<100352xf32, #tpu.memory_space<vmem_shared>>) target(%arg16 : memref<2048xf32, #tpu.memory_space<vmem>>) offsets(%arg12 : memref<2048xi32, #tpu.memory_space<vmem>>) semaphore(%run_scoped3A_45 : memref<!tpu.dma_semaphore, #tpu.memory_space<semaphore_mem>>)
          %dma_wait3A = arith.constant 0 : i32
          %dma_wait3A_47 = tpu.memref_slice %arg11[%dma_wait3A] : memref<100352xf32, #tpu.memory_space<vmem_shared>> -> memref<100352xf32, #tpu.memory_space<vmem_shared>>
          tpu.wait_indirect_dma semaphore(%run_scoped3A_45 : memref<!tpu.dma_semaphore, #tpu.memory_space<semaphore_mem>>) src(%dma_wait3A_47 : memref<100352xf32, #tpu.memory_space<vmem_shared>>) dst(%arg16 : memref<2048xf32, #tpu.memory_space<vmem>>)
          tpu.yield
        }) : () -> ()
        "tpu.region"() ({
          %run_scoped3A_45 = tpu.sem_alloc : memref<!tpu.dma_semaphore, #tpu.memory_space<semaphore_mem>>
          %dma_start3A = arith.constant 0 : i32
          %dma_start3A_46 = tpu.memref_slice %arg9[%dma_start3A] : memref<100352xf32, #tpu.memory_space<vmem_shared>> -> memref<100352xf32, #tpu.memory_space<vmem_shared>>
          tpu.enqueue_indirect_dma source(%dma_start3A_46 : memref<100352xf32, #tpu.memory_space<vmem_shared>>) target(%arg17 : memref<2048xf32, #tpu.memory_space<vmem>>) offsets(%arg13 : memref<2048xi32, #tpu.memory_space<vmem>>) semaphore(%run_scoped3A_45 : memref<!tpu.dma_semaphore, #tpu.memory_space<semaphore_mem>>)
          %dma_wait3A = arith.constant 0 : i32
          %dma_wait3A_47 = tpu.memref_slice %arg9[%dma_wait3A] : memref<100352xf32, #tpu.memory_space<vmem_shared>> -> memref<100352xf32, #tpu.memory_space<vmem_shared>>
          tpu.wait_indirect_dma semaphore(%run_scoped3A_45 : memref<!tpu.dma_semaphore, #tpu.memory_space<semaphore_mem>>) src(%dma_wait3A_47 : memref<100352xf32, #tpu.memory_space<vmem_shared>>) dst(%arg17 : memref<2048xf32, #tpu.memory_space<vmem>>)
          tpu.yield
        }) : () -> ()
        "tpu.region"() ({
          %run_scoped3A_45 = tpu.sem_alloc : memref<!tpu.dma_semaphore, #tpu.memory_space<semaphore_mem>>
          %dma_start3A = arith.constant 0 : i32
          %dma_start3A_46 = tpu.memref_slice %arg10[%dma_start3A] : memref<100352xf32, #tpu.memory_space<vmem_shared>> -> memref<100352xf32, #tpu.memory_space<vmem_shared>>
          tpu.enqueue_indirect_dma source(%dma_start3A_46 : memref<100352xf32, #tpu.memory_space<vmem_shared>>) target(%arg18 : memref<2048xf32, #tpu.memory_space<vmem>>) offsets(%arg13 : memref<2048xi32, #tpu.memory_space<vmem>>) semaphore(%run_scoped3A_45 : memref<!tpu.dma_semaphore, #tpu.memory_space<semaphore_mem>>)
          %dma_wait3A = arith.constant 0 : i32
          %dma_wait3A_47 = tpu.memref_slice %arg10[%dma_wait3A] : memref<100352xf32, #tpu.memory_space<vmem_shared>> -> memref<100352xf32, #tpu.memory_space<vmem_shared>>
          tpu.wait_indirect_dma semaphore(%run_scoped3A_45 : memref<!tpu.dma_semaphore, #tpu.memory_space<semaphore_mem>>) src(%dma_wait3A_47 : memref<100352xf32, #tpu.memory_space<vmem_shared>>) dst(%arg18 : memref<2048xf32, #tpu.memory_space<vmem>>)
          tpu.yield
        }) : () -> ()
        "tpu.region"() ({
          %run_scoped3A_45 = tpu.sem_alloc : memref<!tpu.dma_semaphore, #tpu.memory_space<semaphore_mem>>
          %dma_start3A = arith.constant 0 : i32
          %dma_start3A_46 = tpu.memref_slice %arg11[%dma_start3A] : memref<100352xf32, #tpu.memory_space<vmem_shared>> -> memref<100352xf32, #tpu.memory_space<vmem_shared>>
          tpu.enqueue_indirect_dma source(%dma_start3A_46 : memref<100352xf32, #tpu.memory_space<vmem_shared>>) target(%arg19 : memref<2048xf32, #tpu.memory_space<vmem>>) offsets(%arg13 : memref<2048xi32, #tpu.memory_space<vmem>>) semaphore(%run_scoped3A_45 : memref<!tpu.dma_semaphore, #tpu.memory_space<semaphore_mem>>)
          %dma_wait3A = arith.constant 0 : i32
          %dma_wait3A_47 = tpu.memref_slice %arg11[%dma_wait3A] : memref<100352xf32, #tpu.memory_space<vmem_shared>> -> memref<100352xf32, #tpu.memory_space<vmem_shared>>
          tpu.wait_indirect_dma semaphore(%run_scoped3A_45 : memref<!tpu.dma_semaphore, #tpu.memory_space<semaphore_mem>>) src(%dma_wait3A_47 : memref<100352xf32, #tpu.memory_space<vmem_shared>>) dst(%arg19 : memref<2048xf32, #tpu.memory_space<vmem>>)
          tpu.yield
        }) : () -> ()
        %broadcast_in_dim3A_32 = arith.constant 0.000000e+00 : f32
        %broadcast_in_dim3A_33 = vector.broadcast %broadcast_in_dim3A_32 : f32 to vector<16xf32>
        %scan3A_34 = arith.constant 0 : i32
        %scan3A_35 = arith.constant 128 : i32
        %scan3A_36 = arith.addi %scan3A_34, %scan3A_35 : i32
        %scan3A_37 = arith.constant 1 : i32
        %scan3A_38 = scf.for %scan3A_45 = %scan3A_34 to %scan3A_36 step %scan3A_37 iter_args(%scan3A_46 = %broadcast_in_dim3A_33) -> (vector<16xf32>)  : i32 {
          %mul3A_47 = arith.constant 16 : i32
          %mul3A_48 = arith.muli %scan3A_45, %mul3A_47 : i32
          %get3A_49 = arith.index_cast %mul3A_48 : i32 to index
          %get3A_50 = tpu.vector_load %arg17[%get3A_49] {strides = array<i32>} : memref<2048xf32, #tpu.memory_space<vmem>>, vector<16xf32>,
          %get3A_51 = arith.index_cast %mul3A_48 : i32 to index
          %get3A_52 = tpu.vector_load %arg14[%get3A_51] {strides = array<i32>} : memref<2048xf32, #tpu.memory_space<vmem>>, vector<16xf32>,
          %sub3A = arith.subf %get3A_50, %get3A_52 : vector<16xf32>
          %get3A_53 = arith.index_cast %mul3A_48 : i32 to index
          %get3A_54 = tpu.vector_load %arg18[%get3A_53] {strides = array<i32>} : memref<2048xf32, #tpu.memory_space<vmem>>, vector<16xf32>,
          %get3A_55 = arith.index_cast %mul3A_48 : i32 to index
          %get3A_56 = tpu.vector_load %arg15[%get3A_55] {strides = array<i32>} : memref<2048xf32, #tpu.memory_space<vmem>>, vector<16xf32>,
          %sub3A_57 = arith.subf %get3A_54, %get3A_56 : vector<16xf32>
          %get3A_58 = arith.index_cast %mul3A_48 : i32 to index
          %get3A_59 = tpu.vector_load %arg19[%get3A_58] {strides = array<i32>} : memref<2048xf32, #tpu.memory_space<vmem>>, vector<16xf32>,
          %get3A_60 = arith.index_cast %mul3A_48 : i32 to index
          %get3A_61 = tpu.vector_load %arg16[%get3A_60] {strides = array<i32>} : memref<2048xf32, #tpu.memory_space<vmem>>, vector<16xf32>,
          %sub3A_62 = arith.subf %get3A_59, %get3A_61 : vector<16xf32>
          %get3A_63 = arith.index_cast %mul3A_48 : i32 to index
          %get3A_64 = tpu.vector_load %arg20[%get3A_63] {strides = array<i32>} : memref<2048xf32, #tpu.memory_space<vmem>>, vector<16xf32>,
          %mul3A_65 = arith.constant 64 : i32
          %mul3A_66 = arith.muli %scan3A_45, %mul3A_65 : i32
          %add3A_67 = vector.broadcast %mul3A_66 : i32 to vector<16xi32>
          %add3A_68 = arith.addi %mul3A_11, %add3A_67 : vector<16xi32>
          tpu.vector_store_idx %arg21[%add3A_68], %sub3A : memref<8192xf32, #tpu.memory_space<vmem>>[vector<16xi32>], vector<16xf32>,
          %add3A_69 = arith.constant 1 : i32
          %add3A_70 = vector.broadcast %add3A_69 : i32 to vector<16xi32>
          %add3A_71 = arith.addi %add3A_68, %add3A_70 : vector<16xi32>
          tpu.vector_store_idx %arg21[%add3A_71], %sub3A_57 : memref<8192xf32, #tpu.memory_space<vmem>>[vector<16xi32>], vector<16xf32>,
          %add3A_72 = arith.constant 2 : i32
          %add3A_73 = vector.broadcast %add3A_72 : i32 to vector<16xi32>
          %add3A_74 = arith.addi %add3A_68, %add3A_73 : vector<16xi32>
          tpu.vector_store_idx %arg21[%add3A_74], %sub3A_62 : memref<8192xf32, #tpu.memory_space<vmem>>[vector<16xi32>], vector<16xf32>,
          %add3A_75 = arith.constant 3 : i32
          %add3A_76 = vector.broadcast %add3A_75 : i32 to vector<16xi32>
          %add3A_77 = arith.addi %add3A_68, %add3A_76 : vector<16xi32>
          tpu.vector_store_idx %arg21[%add3A_77], %get3A_64 : memref<8192xf32, #tpu.memory_space<vmem>>[vector<16xi32>], vector<16xf32>,
          %abs3A = math.absf %sub3A : vector<16xf32>
          %max3A_78 = arith.maximumf %scan3A_46, %abs3A : vector<16xf32>
          %abs3A_79 = math.absf %sub3A_57 : vector<16xf32>
          %max3A_80 = arith.maximumf %max3A_78, %abs3A_79 : vector<16xf32>
          %abs3A_81 = math.absf %sub3A_62 : vector<16xf32>
          %max3A_82 = arith.maximumf %max3A_80, %abs3A_81 : vector<16xf32>
          scf.yield %max3A_82 : vector<16xf32>
        }
        %scan3A_39 = arith.constant 128 : i32
        %get3A = arith.constant 0 : index
        %get3A_40 = tpu.vector_load %arg22[%get3A] {strides = array<i32>} : memref<16xf32, #tpu.memory_space<vmem>>, vector<16xf32>,
        %max3A = arith.maximumf %get3A_40, %scan3A_38 : vector<16xf32>
        %swap3A_41 = arith.constant 0 : index
        %swap3A_42 = tpu.vector_load %arg22[%swap3A_41] {strides = array<i32>} : memref<16xf32, #tpu.memory_space<vmem>>, vector<16xf32>,
        tpu.vector_store %arg22[%swap3A_41], %max3A {strides = array<i32>} : memref<16xf32, #tpu.memory_space<vmem>>, vector<16xf32>,
        %mul3A_43 = arith.constant 4 : i32
        %mul3A_44 = arith.muli %mul3A_30, %mul3A_43 : i32
        "tpu.region"() ({
          %run_scoped3A_45 = tpu.sem_alloc : memref<!tpu.dma_semaphore, #tpu.memory_space<semaphore_mem>>
          %dma_start3A = tpu.memref_slice %arg7[%mul3A_44] : memref<25600000xf32, #tpu.memory_space<hbm>> -> memref<8192xf32, #tpu.memory_space<hbm>>
          %dma_start3A_46 = tpu.memref_slice %arg7[%mul3A_44] : memref<25600000xf32, #tpu.memory_space<hbm>> -> memref<8192xf32, #tpu.memory_space<hbm>>
          tpu.enqueue_dma source(%arg21 : memref<8192xf32, #tpu.memory_space<vmem>>) target(%dma_start3A_46 : memref<8192xf32, #tpu.memory_space<hbm>>) target_semaphore(%run_scoped3A_45 : memref<!tpu.dma_semaphore, #tpu.memory_space<semaphore_mem>>)
          %dma_wait3A = tpu.memref_slice %arg7[%mul3A_44] : memref<25600000xf32, #tpu.memory_space<hbm>> -> memref<8192xf32, #tpu.memory_space<hbm>>
          %dma_wait3A_47 = tpu.memref_slice %arg7[%mul3A_44] : memref<25600000xf32, #tpu.memory_space<hbm>> -> memref<8192xf32, #tpu.memory_space<hbm>>
          tpu.wait_dma2 semaphore(%run_scoped3A_45 : memref<!tpu.dma_semaphore, #tpu.memory_space<semaphore_mem>>) src(%arg21 : memref<8192xf32, #tpu.memory_space<vmem>>) dst(%dma_wait3A_47 : memref<8192xf32, #tpu.memory_space<hbm>>)
          tpu.yield
        }) : () -> ()
      } else {
      }
    }
    %scan3A_16 = arith.constant 98 : i32
    %mul3A_17 = arith.constant 16 : i32
    %mul3A_18 = arith.muli %add3A, %mul3A_17 : i32
    "tpu.region"() ({
      %run_scoped3A = tpu.sem_alloc : memref<!tpu.dma_semaphore, #tpu.memory_space<semaphore_mem>>
      %dma_start3A = tpu.memref_slice %arg8[%mul3A_18] : memref<1024xf32, #tpu.memory_space<hbm>> -> memref<16xf32, #tpu.memory_space<hbm>>
      %dma_start3A_23 = tpu.memref_slice %arg8[%mul3A_18] : memref<1024xf32, #tpu.memory_space<hbm>> -> memref<16xf32, #tpu.memory_space<hbm>>
      tpu.enqueue_dma source(%arg22 : memref<16xf32, #tpu.memory_space<vmem>>) target(%dma_start3A_23 : memref<16xf32, #tpu.memory_space<hbm>>) target_semaphore(%run_scoped3A : memref<!tpu.dma_semaphore, #tpu.memory_space<semaphore_mem>>)
      %dma_wait3A = tpu.memref_slice %arg8[%mul3A_18] : memref<1024xf32, #tpu.memory_space<hbm>> -> memref<16xf32, #tpu.memory_space<hbm>>
      %dma_wait3A_24 = tpu.memref_slice %arg8[%mul3A_18] : memref<1024xf32, #tpu.memory_space<hbm>> -> memref<16xf32, #tpu.memory_space<hbm>>
      tpu.wait_dma2 semaphore(%run_scoped3A : memref<!tpu.dma_semaphore, #tpu.memory_space<semaphore_mem>>) src(%arg22 : memref<16xf32, #tpu.memory_space<vmem>>) dst(%dma_wait3A_24 : memref<16xf32, #tpu.memory_space<hbm>>)
      tpu.yield
    }) : () -> ()
    %mul3A_19 = arith.constant 16 : i32
    %mul3A_20 = arith.muli %add3A, %mul3A_19 : i32
    %add3A_21 = arith.constant 512 : i32
    %add3A_22 = arith.addi %add3A_21, %mul3A_20 : i32
    "tpu.region"() ({
      %run_scoped3A = tpu.sem_alloc : memref<!tpu.dma_semaphore, #tpu.memory_space<semaphore_mem>>
      %dma_start3A = tpu.memref_slice %arg8[%add3A_22] : memref<1024xf32, #tpu.memory_space<hbm>> -> memref<16xf32, #tpu.memory_space<hbm>>
      %dma_start3A_23 = tpu.memref_slice %arg8[%add3A_22] : memref<1024xf32, #tpu.memory_space<hbm>> -> memref<16xf32, #tpu.memory_space<hbm>>
      tpu.enqueue_dma source(%arg23 : memref<16xf32, #tpu.memory_space<vmem>>) target(%dma_start3A_23 : memref<16xf32, #tpu.memory_space<hbm>>) target_semaphore(%run_scoped3A : memref<!tpu.dma_semaphore, #tpu.memory_space<semaphore_mem>>)
      %dma_wait3A = tpu.memref_slice %arg8[%add3A_22] : memref<1024xf32, #tpu.memory_space<hbm>> -> memref<16xf32, #tpu.memory_space<hbm>>
      %dma_wait3A_24 = tpu.memref_slice %arg8[%add3A_22] : memref<1024xf32, #tpu.memory_space<hbm>> -> memref<16xf32, #tpu.memory_space<hbm>>
      tpu.wait_dma2 semaphore(%run_scoped3A : memref<!tpu.dma_semaphore, #tpu.memory_space<semaphore_mem>>) src(%arg23 : memref<16xf32, #tpu.memory_space<vmem>>) dst(%dma_wait3A_24 : memref<16xf32, #tpu.memory_space<hbm>>)
      tpu.yield
    }) : () -> ()
    return
  }
}

</mosaic_0001>

<sc_bundles>
// kernel: _sc_phase.3.cloned.1.call-start
scs
__scs_entry_jumppad:
0x0: {  	(pc) =	sbr.rel $0x88, $3  }
0x1: {  	(tag) =	ssettag $0x0;
	lr =	simm.s32 $0x1  }
0x2: {  	[smem:$0x3F9C] =	sst lr;
	_ =	strace $0xD0000000  }
0x3: {  	_ = 	snop  }
0x4: {  	_ = 	snop  }
0x5: {  	_ = 	snop  }
0x6: {  	_ = 	snop  }
0x7: {  	_ = 	snop  }
__scs_overlays_trampoline_lowered:
0x8: {  	[smem:$0x3FAB] =	sst s0  }
0x9: {  	[smem:$0x3FAC] =	sst s1  }
0xa: {  	[smem:$0x3FAD] =	sst s2  }
0xb: {  	[smem:$0x3FAE] =	sst s3  }
0xc: {  	[smem:$0x3FAF] =	sst s4  }
0xd: {  	[smem:$0x3FB0] =	sst s5  }
0xe: {  	[smem:$0x3FB1] =	sst s6  }
0xf: {  	[smem:$0x3FB2] =	sst s7  }
0x10: {  	[smem:$0x3FB3] =	sst s8  }
0x11: {  	[smem:$0x3FB4] =	sst s9;
	s0 =	simm.s32 @!p0 $0x0  }
0x12: {  	s1 =	sld [smem:$0x3F9A];
	s0 =	simm.s32 @p0 $0x1  }
0x13: {  	[smem:$0x3FB5] =	sst s0;
	s0 =	simm.s32 @!p1 $0x0  }
0x14: {  	s2 =	sld [smem:$0x3F99];
	s0 =	simm.s32 @p1 $0x1  }
0x15: {  	[smem:$0x3FB6] =	sst s0;
	s0 =	simm.s32 @!p2 $0x0  }
0x16: {  	s3 =	sld [smem:$0x3FDB];
	s0 =	simm.s32 @p2 $0x1  }
0x17: {  	s4 =	simm.s32 $0x1BF5;
	[smem:$0x3FB8] =	sst s0  }
0x18: {  	s0 =	sld [smem:$0x3F9B];
	_ =	swait.ge [sflag:s4], $0x0  }
0x19: {  	s7 =	sld [smem:$0x3F9C]  }
0x1a: {  	s8 =	sadd.s32 $0xFFFFE003, lr  }
0x1b: {  	s9 =	sadd.s32 $0xFFFFFEF7, lr;
	s5 =	simm.s32 $0xFFFFFFFF;
	p2 =	slt.u32 s8, $0xFFFFF086  }
0x1c: {  	p1 =	slt.u32 s9, $0xF7A;
	s5 =	simm.s32 @!p2 $0x0  }
0x1d: {  	s5 =	simm.s32 @p1 $0x1;
	p0 =	seq.s32 s7, s2  }
0x1e: {  	s7 =	smul.u32 @!p0 $0xF7A, s2;
	p2 =	seq.s32 @!p0 s5, $0x0  }
0x1f: {  	s9 =	smul.u32 $0xF7A, s1;
	s8 =	simm.s32 @!p0 $0x1BF5;
	p2 =	por !p2, p0  }
0x20: {  	[sflag:s8] =	ssyncset.s32 @!p0 $0xFFFFF086;
	s6 =	sadd.s32 @!p0 s3, s7;
	s7 =	simm.s32 @!p0 $0x108  }
0x21: {  	s3 =	sadd.s32 s3, s9;
	s6 =	sadd.s32 @!p0 $0x88, s6;
	s7 =	simm.s32 @p2 $0x1082  }
0x22: {  	[simem:s7], [sflag:s8] =	dma.local @!p0 [hbm:s6], $0xF7A  }
0x23: {  	s9 =	sor.u32 $0xD0000000, s2;
	s6 =	simm.s32 $0x108;
	_ =	swait.ge @!p0 [sflag:s8], $0x0  }
0x24: {  	s3 =	sadd.s32 $0x88, s3;
	s6 =	simm.s32 @!p1 $0x1082;
	[sflag:s4] =	ssyncset.s32 $0xFFFFF086  }
0x25: {  	[simem:s6], [sflag:s4] =	dma.local [hbm:s3], $0xF7A  }
0x26: {  	[smem:$0x3F9C] =	sst s1;
	(tag) =	ssettag s2;
	_ =	strace s9  }
0x27: {  	s1 =	sld [smem:$0x3FAC]  }
0x28: {  	s2 =	sld [smem:$0x3FAD]  }
0x29: {  	s4 =	sld [smem:$0x3FAF]  }
0x2a: {  	p0 =	seq.s32 s5, $0x0;
	s5 =	sld [smem:$0x3FB0]  }
0x2b: {  	s6 =	sld [smem:$0x3FB1]  }
0x2c: {  	s7 =	sld [smem:$0x3FB2]  }
0x2d: {  	s3 =	simm.s32 $0x108;
	s8 =	sld [smem:$0x3FB3]  }
0x2e: {  	s3 =	simm.s32 @!p0 $0x1082;
	s9 =	sld [smem:$0x3FB4]  }
0x2f: {  	lr =	sadd.s32 s0, s3;
	s0 =	sld [smem:$0x3FAB]  }
0x30: {  	s3 =	sld [smem:$0x3FAE]  }
0x31: {  	[smem:$0x3FB7] =	sst s10  }
0x32: {  	s10 =	sld [smem:$0x3FB5];
	_ =	sdelay $0x3  }
0x33: {  	p0 =	seq.s32 s10, $0x1;
	s10 =	sld [smem:$0x3FB7];
	_ =	sdelay $0x3  }
0x34: {  	[smem:$0x3FB7] =	sst s10  }
0x35: {  	s10 =	sld [smem:$0x3FB6];
	_ =	sdelay $0x3  }
0x36: {  	p1 =	seq.s32 s10, $0x1;
	s10 =	sld [smem:$0x3FB7];
	_ =	sdelay $0x3  }
0x37: {  	[smem:$0x3FB7] =	sst s10  }
0x38: {  	s10 =	sld [smem:$0x3FB8]  }
0x39: {  	_ = 	snop;
	(pc) =	sbr.ind lr, $3  }
0x3a: {  	_ = 	snop  }
0x3b: {  	_ = 	snop  }
0x3c: {  	p2 =	seq.s32 s10, $0x1;
	s10 =	sld [smem:$0x3FB7]  }
0x3d: {  	_ =	shalt  }
0x3e: {  	_ =	shalt  }
0x3f: {  	_ =	shalt  }
0x40: {  	_ =	shalt  }
0x41: {  	_ =	shalt  }
0x42: {  	_ =	shalt  }
0x43: {  	_ =	shalt  }
0x44: {  	_ =	shalt  }
0x45: {  	_ =	shalt  }
0x46: {  	_ =	shalt  }
0x47: {  	_ =	shalt  }
0x48: {  	_ =	shalt  }
0x49: {  	_ =	shalt  }
0x4a: {  	_ =	shalt  }
0x4b: {  	_ =	shalt  }
0x4c: {  	_ =	shalt  }
0x4d: {  	_ =	shalt  }
0x4e: {  	_ =	shalt  }
0x4f: {  	_ =	shalt  }
0x50: {  	_ =	shalt  }
0x51: {  	_ =	shalt  }
0x52: {  	_ =	shalt  }
0x53: {  	_ =	shalt  }
0x54: {  	_ =	shalt  }
0x55: {  	_ =	shalt  }
0x56: {  	_ =	shalt  }
0x57: {  	_ =	shalt  }
0x58: {  	_ =	shalt  }
0x59: {  	_ =	shalt  }
0x5a: {  	_ =	shalt  }
0x5b: {  	_ =	shalt  }
0x5c: {  	_ =	shalt  }
0x5d: {  	_ =	shalt  }
0x5e: {  	_ =	shalt  }
0x5f: {  	_ =	shalt  }
0x60: {  	_ =	shalt  }
0x61: {  	_ =	shalt  }
0x62: {  	_ =	shalt  }
0x63: {  	_ =	shalt  }
0x64: {  	_ =	shalt  }
0x65: {  	_ =	shalt  }
0x66: {  	_ =	shalt  }
0x67: {  	_ =	shalt  }
0x68: {  	_ =	shalt  }
0x69: {  	_ =	shalt  }
0x6a: {  	_ =	shalt  }
0x6b: {  	_ =	shalt  }
0x6c: {  	_ =	shalt  }
0x6d: {  	_ =	shalt  }
0x6e: {  	_ =	shalt  }
0x6f: {  	_ =	shalt  }
0x70: {  	_ =	shalt  }
0x71: {  	_ =	shalt  }
0x72: {  	_ =	shalt  }
0x73: {  	_ =	shalt  }
0x74: {  	_ =	shalt  }
0x75: {  	_ =	shalt  }
0x76: {  	_ =	shalt  }
0x77: {  	_ =	shalt  }
0x78: {  	_ =	shalt  }
0x79: {  	_ =	shalt  }
0x7a: {  	_ =	shalt  }
0x7b: {  	_ =	shalt  }
0x7c: {  	_ =	shalt  }
0x7d: {  	_ =	shalt  }
0x7e: {  	_ =	shalt  }
0x7f: {  	_ =	shalt  }
0x80: {  	_ =	shalt  }
0x81: {  	_ =	shalt  }
0x82: {  	_ =	shalt  }
0x83: {  	_ =	shalt  }
0x84: {  	_ =	shalt  }
0x85: {  	_ =	shalt  }
0x86: {  	_ =	shalt  }
0x87: {  	_ =	shalt  }
.Lfunc_end0:
.L_simem_size_0:
called_computation_lowered:
.L_overlay_start_0:
0x88: {  	s2 =	sld [smem:$0x3FD9]  }
0x89: {  	s3 =	sld [smem:$0x3FFE];
	_ =	sdelay $0x1  }
0x8a: {  	s1 =	srdreg.scid  }
0x8b: {  	s0 =	sand.u32 $0x1, s1  }
0x8c: {  	s15 =	sshll.u32 s0, $0xA;
	s2 =	sadd.s32 s3, s2  }
0x8d: {  	s2 =	sadd.s32 s2, s15  }
0x8e: {  	[smem:$0x3FC3] =	sst s2  }
0x8f: {  	_ = 	snop  }
0x90: {  	s2 =	sld [smem:$0x3FC9]  }
0x91: {  	s16 =	sld [smem:$0x3FC8]  }
0x92: {  	s4 =	sld [smem:$0x3FD0]  }
0x93: {  	s5 =	sld [smem:$0x3FC7]  }
0x94: {  	s6 =	sld [smem:$0x3FC6]  }
0x95: {  	s8 =	simm.s32 $0xA;
	s9 =	simm.s32 $0x10;
	s7 =	sld [smem:$0x3FC5]  }
0x96: {  	[smem:s9], [sflag:s8] =	dma.local [hbm:s4], $0x1  }
0x97: {  	_ =	swait.eq [sflag:s8], $0x1  }
0x98: {  	[sflag:s8] =	ssyncset.done $0x0  }
0x99: {  	s17 =	sld [smem:$0x10];
	[sflag:s8] =	ssyncadd.s32 $0xFFFFFFFF  }
0x9a: {  	s18 =	sld [smem:$0x11];
	(tm) =	ssettm $0x1  }
0x9b: {  	s19 =	sld [smem:$0x3FFB];
	_ =	sdelay $0x3  }
0x9c: {  	_ =	strace s19  }
0x9d: {  	s9 =	sld [smem:$0x3FFC];
	_ =	sdelay $0x3  }
0x9e: {  	_ =	strace s9  }
0x9f: {  	s9 =	sld [smem:$0x3FFD];
	_ =	sdelay $0x3  }
0xa0: {  	_ =	strace s9  }
0xa1: {  	_ =	strace $0x8FFFFFFF  }
0xa2: {  	s20 =	sld [smem:$0x3FDB];
	_ =	sdelay $0x1  }
0xa3: {  	s10 =	simm.s32 $_scs_section_size  }
0xa4: {  	s11 =	simm.s32 $_size__tile_overlayer_lowered;
	s12 =	simm.s32 $_tile_overlayer_lowered  }
0xa5: {  	s23 =	simm.s32 $0x1BFF;
	s22 =	sshll.u32 s12, $0x1;
	s9 =	sadd.s32 s10, s20  }
0xa6: {  	s13 =	simm.s32 $0x0;
	s21 =	sshll.u32 s11, $0x1;
	s11 =	sadd.s32 s22, s9  }
0xa7: {  	[timem:s13], [sflag:s23] =	dma.local [hbm:s11], s21  }
0xa8: {  	_ =	swait.ge [sflag:s23], s21  }
0xa9: {  	s10 =	ssub.s32 $0x0, s21;
	[sflag:s23] =	ssyncset.done $0x0  }
0xaa: {  	[sflag:s23] =	ssyncadd.s32 s10;
	_ =	sdelay $0x1  }
0xab: {  	s24 =	simm.s32 $0x1B8B  }
0xac: {  	_ =	swait.ge [sflag:s24], $0x1  }
0xad: {  	[sflag:s24] =	ssyncset.done $0x0  }
0xae: {  	s25 =	simm.s32 $0x1B8E;
	[sflag:s24] =	ssyncadd.s32 $0xFFFFFFFF  }
0xaf: {  	s26 =	simm.s32 $execute0_lowered;
	[smem:$0x3FD2] =	sst s25  }
0xb0: {  	s10 =	sshll.u32 s26, $0x1;
	_ =	strace $0x80000046;
	[dreg:$0x1] =	wrdreg $0xFFFFFFFF  }
0xb1: {  	s28 =	simm.s32 $_size_execute0_lowered;
	s9 =	sadd.s32 s9, s10;
	[dreg:$0x0] =	wrdreg $0x0  }
0xb2: {  	s10 =	sshll.u32 s28, $0x1;
	[dreg:$0x2] =	wrdreg s9  }
0xb3: {  	[dreg:$0x3] =	wrdreg s10  }
0xb4: {  	[dreg:$0x4] =	wrdreg $0xC0  }
0xb5: {  	_ =	task [dreg:s13], $0x5FFFF  }
0xb6: {  	[dreg:$0x1] =	wrdreg $0xFFFFFFFF  }
0xb7: {  	[dreg:$0x0] =	wrdreg $0x60  }
0xb8: {  	[dreg:$0x2] =	wrdreg s2  }
0xb9: {  	[dreg:$0x3] =	wrdreg s16  }
0xba: {  	[dreg:$0x4] =	wrdreg s5  }
0xbb: {  	[dreg:$0x5] =	wrdreg s6  }
0xbc: {  	[dreg:$0x6] =	wrdreg s7  }
0xbd: {  	[dreg:$0x7] =	wrdreg s17  }
0xbe: {  	[dreg:$0x8] =	wrdreg s18  }
0xbf: {  	[dreg:$0x9] =	wrdreg $0x0  }
0xc0: {  	[dreg:$0xa] =	wrdreg $0x18800  }
0xc1: {  	[dreg:$0xb] =	wrdreg $0x31000  }
0xc2: {  	[dreg:$0xc] =	wrdreg $0x9  }
0xc3: {  	_ =	task.clear_ibuf [dreg:s13], $0xDFFFF;
	_ =	strace $0x90000046  }
0xc4: {  	s29 =	simm.s32 $0x9;
	_ =	strace $0x80000048  }
0xc5: {  	_ =	swait.ge [sflag:s29], $0x1  }
0xc6: {  	[sflag:s29] =	ssyncadd.s32 $0xFFFFFFFF  }
0xc7: {  	_ =	strace $0x90000048  }
0xc8: {  	_ =	sfence  }
0xc9: {  	s30 =	sld [smem:$0x0];
	_ =	sdelay $0x2  }
0xca: {  	s31 =	sshll.u32 s1, $0xD;
	s1 =	sshrl.u32 s1, $0x2  }
0xcb: {  	s3 =	sand.u32 $0x4000, s31;
	s1 =	sadd.s32 s1, s30  }
0xcc: {  	s0 =	sor.u32 s3, s0;
	s1 =	sshll.u32 s1, $0x11  }
0xcd: {  	s0 =	sor.u32 s1, s0  }
0xce: {  	s0 =	sadd.s32 $0x8F2B, s0  }
0xcf: {  	[sflag:s0] =	ssyncadd.remote.s32 $0x1  }
0xd0: {  	_ =	sfence.sel $0xFFFF  }
0xd1: {  	[dreg:$0x0] =	wrdreg $0xFFFFFFFF;
	(pc) =	sbr.abs _section_cstart, $3  }
0xd2: {  	[dreg:$0x1] =	wrdreg $0xFFFFFFFF  }
0xd3: {  	_ =	task.clear_ibuf [dreg:s13], $0x2FFFF;
	_ =	strace $0x9FFFFFFF  }
0xd4: {  	(tm) =	ssettm $0x7FFFFFFF  }
0xd5: {  	_ =	shalt  }
tec
execute0_lowered:
.L_overlay_start_1:
0x0: {  	(tag) =	ssettag $0x1  }
0x1: {  	s2 =	rddreg [dreg:$0x0]  }
0x2: {  	s7 =	rddreg [dreg:$0x1]  }
0x3: {  	s10 =	rddreg [dreg:$0x2]  }
0x4: {  	s0 =	rddreg [dreg:$0x3]  }
0x5: {  	s1 =	rddreg [dreg:$0x4]  }
0x6: {  	s3 =	rddreg [dreg:$0x5]  }
0x7: {  	s12 =	rddreg [dreg:$0x6]  }
0x8: {  	s4 =	rddreg [dreg:$0x7]  }
0x9: {  	s5 =	rddreg [dreg:$0x8]  }
0xa: {  	s6 =	rddreg [dreg:$0x9];
	s8 =	srdreg.scid  }
0xb: {  	s16 =	stileid.u32;
	s28 =	simm.s32 $0x8980;
	s29 =	simm.s32 $0x800  }
0xc: {  	s30 =	simm.s32 $0x5980;
	s31 =	simm.s32 $0x6180;
	s9 =	sand.u32 $0x1, s8  }
0xd: {  	s8 =	simm.s32 $0x0;
	s14 =	smul.u32 $0x1880, s16;
	s19 =	sshll.u32 s16, $0x1  }
0xe: {  	s20 =	sshll.u32 s16, $0x6;
	s16 =	simm.s32 $0x0;
	s11 =	ssub.s32 $0x2, s9  }
0xf: {  	[smem:$0x7FF] =	sst s8;
	s9 =	sor.u32 s9, s19;
	s19 =	simm.s32 $0x1  }
0x10: {  	s13 =	sshrl.u32 s11, $0x1;
	_ =	strace $0x80000047;
	s15 =	sshrl.u32 s14, $0x3  }
0x11: {  	s21 =	sadd.s32 s14, s4;
	s22 =	sadd.s32 s14, s5;
	s23 =	sshll.u32 s9, $0x1  }
0x12: {  	s14 =	sadd.s32 s14, s6;
	s13 =	ssub.s32 s11, s13;
	s2 =	sadd.s32 s2, s15  }
0x13: {  	s11 =	sor.u32 $0x1C01, s20;
	s7 =	sadd.s32 s7, s15;
	[dreg:$0xb] =	wrdreg s2  }
0x14: {  	s10 =	sadd.s32 s10, s15;
	s15 =	sadd.s32 $0x10, s0;
	[dreg:$0xc] =	wrdreg s7  }
0x15: {  	s25 =	sshrl.u32 s21, $0x3;
	s26 =	sshrl.u32 s14, $0x3;
	[dreg:$0xd] =	wrdreg s10  }
0x16: {  	s7 =	sadd.s32 s12, s23;
	s24 =	smax.u32 s13, $0x1;
	[dreg:$0x11] =	wrdreg s25  }
0x17: {  	s2 =	sshrl.u32 s22, $0x3;
	[dreg:$0x13] =	wrdreg s26;
	s22 =	simm.s32 $0x80  }
.Ltmp0:
0x18: {  	s23 =	simm.s32 $0x100;
	s25 =	simm.s32 $0x2;
	(pc) =	sbr.rel .LBB2_1-.Ltmp0, $4  }
0x19: {  	v0 =	vlaneseq.u32;
	s26 =	simm.s32 $0x5180;
	s10 =	simm.s32 $0x7980;
	[dreg:$0xe] =	wrdreg s7  }
0x1a: {  	v0 =	vmul.u32 $0x4, v0;
	s12 =	simm.s32 $0x8180;
	s13 =	simm.s32 $0x9180;
	[dreg:$0x10] =	wrdreg s24  }
0x1b: {  	v1 =	vimm.f32 $0.0e+00;
	s7 =	sadd.s32 $0x40, s7;
	[dreg:$0x12] =	wrdreg s2;
	s24 =	simm.s32 $0x4980  }
0x1c: {  	v2 =	vor.u32 $0x1, v0;
	v3 =	vor.u32 $0x2, v0;
	v4 =	vor.u32 $0x3, v0;
	s2 =	simm.s32 $0x6980;
	[dreg:$0xf] =	wrdreg s7;
	s7 =	simm.s32 $0x7180  }
.LBB2_7:
0x1d: {  	s14 =	rddreg [dreg:$0xe];
	s17 =	simm.s32 $0xB180  }
0x1e: {  	[hbm4b:s14+s8] =	stream.linear.scatter [tilespmem:s17], [sflag:$0x1], $0x10, $0x38;
	[tilespmem:$0xB280] =	vst v63  }
0x1f: {  	_ =	swait.ge [sflag:s19], $0x10  }
0x20: {  	[sflag:s19] =	ssyncset.done $0x0  }
0x21: {  	s20 =	simm.s32 $0xB200;
	s18 =	rddreg [dreg:$0xf];
	[sflag:s19] =	ssyncadd.s32 $0xFFFFFFF0  }
0x22: {  	[hbm4b:s18+s8] =	stream.linear.scatter [tilespmem:s20], [sflag:$0x1], $0x10, $0x38;
	[tilespmem:$0xB280] =	vst v63  }
0x23: {  	_ =	swait.ge [sflag:s19], $0x10  }
0x24: {  	s16 =	sadd.s32 $0x1, s16;
	s21 =	rddreg [dreg:$0x10]  }
0x25: {  	p0 =	sne.s32 s16, s21  }
.Ltmp1:
0x26: {  	_ = 	snop;
	(pc) =	sbr.rel @!p0 .LBB2_8-.Ltmp1, $3  }
0x27: {  	_ =	sdelay $0x1  }
0x28: {  	[sflag:s19] =	ssyncset.done $0x0  }
0x29: {  	[sflag:s19] =	ssyncadd.s32 $0xFFFFFFF0  }
.LBB2_1:
0x2a: {  	s14 =	rddreg [dreg:$0xb]  }
0x2b: {  	s17 =	rddreg [dreg:$0x11]  }
0x2c: {  	[spmem:s17], [sflag:s11] =	dma.local [hbm:s14], $0x310  }
0x2d: {  	_ =	swait.ge [sflag:s19], $0x310  }
0x2e: {  	[sflag:s19] =	ssyncset.done $0x0;
	s17 =	rddreg [dreg:$0xc]  }
0x2f: {  	s18 =	rddreg [dreg:$0x12];
	[sflag:s19] =	ssyncadd.s32 $0xFFFFFCF0  }
0x30: {  	[spmem:s18], [sflag:s11] =	dma.local [hbm:s17], $0x310  }
0x31: {  	_ =	swait.ge [sflag:s19], $0x310  }
0x32: {  	[sflag:s19] =	ssyncset.done $0x0;
	s20 =	rddreg [dreg:$0xd]  }
0x33: {  	s21 =	rddreg [dreg:$0x13];
	[sflag:s19] =	ssyncadd.s32 $0xFFFFFCF0  }
0x34: {  	[spmem:s21], [sflag:s11] =	dma.local [hbm:s20], $0x310  }
0x35: {  	_ =	swait.ge [sflag:s19], $0x310  }
.Ltmp2:
0x36: {  	[sflag:s19] =	ssyncset.done $0x0;
	(pc) =	sbr.rel .LBB2_2-.Ltmp2, $4  }
0x37: {  	[sflag:s19] =	ssyncadd.s32 $0xFFFFFCF0  }
0x38: {  	[bflag:$0x0] =	sbarrier.arrive $0xFFFF  }
0x39: {  	[tilespmem:$0xB180] =	vst v1  }
0x3a: {  	s17 =	simm.s32 $0x0;
	[tilespmem:$0xB200] =	vst v1  }
.LBB2_6:
0x3b: {  	s17 =	sadd.s32 $0x1, s17  }
0x3c: {  	p0 =	sne.s32 s17, $0x62  }
.Ltmp3:
0x3d: {  	_ = 	snop;
	(pc) =	sbr.rel @!p0 .LBB2_7-.Ltmp3, $1  }
0x3e: {  	_ =	sdelay $0x3  }
.LBB2_2:
0x3f: {  	s14 =	sshll.u32 s17, $0x5  }
0x40: {  	s18 =	sor.u32 s9, s14  }
0x41: {  	p0 =	sgt.u32 s18, $0xC34  }
.Ltmp4:
0x42: {  	_ = 	snop;
	(pc) =	sbr.rel @p0 .LBB2_6-.Ltmp4, $1  }
0x43: {  	_ =	sdelay $0x3  }
0x44: {  	s14 =	sshll.u32 s18, $0x9  }
0x45: {  	s20 =	sadd.s32 s0, s14  }
0x46: {  	[tilespmem:s24], [sflag:$0x2] =	stream.strided.gather [hbm4b:s20+s22], $0x800, s23, s22, $0x38;
	[tilespmem:$0xB280] =	vst v63  }
0x47: {  	_ =	swait.ge [sflag:s25], $0x800  }
0x48: {  	[sflag:s25] =	ssyncset.done $0x0  }
0x49: {  	s14 =	sadd.s32 s14, s15;
	[sflag:s25] =	ssyncadd.s32 $0xFFFFF800  }
0x4a: {  	[tilespmem:s26], [sflag:$0x2] =	stream.strided.gather [hbm4b:s14+s22], $0x800, s23, s22, $0x38;
	[tilespmem:$0xB280] =	vst v63  }
0x4b: {  	_ =	swait.ge [sflag:s25], $0x800  }
0x4c: {  	s21 =	sshll.u32 s18, $0x8;
	[sflag:s25] =	ssyncset.done $0x0  }
0x4d: {  	s20 =	simm.s32 $0x0;
	s14 =	sadd.s32 s1, s21;
	[sflag:s25] =	ssyncadd.s32 $0xFFFFF800  }
0x4e: {  	[tilespmem:s28], [sflag:$0x2] =	stream.linear.gather [hbm4b:s14+s20], $0x800, $0x38;
	[tilespmem:$0xB280] =	vst v63  }
0x4f: {  	_ =	swait.ge [sflag:s25], $0x800  }
0x50: {  	[sflag:s25] =	ssyncset.done $0x0  }
0x51: {  	[sflag:s25] =	ssyncadd.s32 $0xFFFFF800  }
0x52: {  	[tilespmem:s30], [sflag:$0x2] =	stream.indirect.gather [spmem:s4], $0x1, s24, s29, $0xb8;
	[tilespmem:$0xB280] =	vst v63  }
0x53: {  	_ =	swait.ge [sflag:s25], $0x800  }
0x54: {  	[sflag:s25] =	ssyncset.done $0x0  }
0x55: {  	[sflag:s25] =	ssyncadd.s32 $0xFFFFF800  }
0x56: {  	[tilespmem:s31], [sflag:$0x2] =	stream.indirect.gather [spmem:s5], $0x1, s24, s29, $0xb8;
	[tilespmem:$0xB280] =	vst v63  }
0x57: {  	_ =	swait.ge [sflag:s25], $0x800  }
0x58: {  	[sflag:s25] =	ssyncset.done $0x0  }
0x59: {  	[sflag:s25] =	ssyncadd.s32 $0xFFFFF800  }
0x5a: {  	[tilespmem:s2], [sflag:$0x2] =	stream.indirect.gather [spmem:s6], $0x1, s24, s29, $0xb8;
	[tilespmem:$0xB280] =	vst v63  }
0x5b: {  	_ =	swait.ge [sflag:s25], $0x800  }
0x5c: {  	[sflag:s25] =	ssyncset.done $0x0  }
0x5d: {  	[sflag:s25] =	ssyncadd.s32 $0xFFFFF800  }
0x5e: {  	[tilespmem:s7], [sflag:$0x2] =	stream.indirect.gather [spmem:s4], $0x1, s26, s29, $0xb8;
	[tilespmem:$0xB280] =	vst v63  }
0x5f: {  	_ =	swait.ge [sflag:s25], $0x800  }
0x60: {  	[sflag:s25] =	ssyncset.done $0x0  }
0x61: {  	[sflag:s25] =	ssyncadd.s32 $0xFFFFF800  }
0x62: {  	[tilespmem:s10], [sflag:$0x2] =	stream.indirect.gather [spmem:s5], $0x1, s26, s29, $0xb8;
	[tilespmem:$0xB280] =	vst v63  }
0x63: {  	_ =	swait.ge [sflag:s25], $0x800  }
0x64: {  	[sflag:s25] =	ssyncset.done $0x0  }
0x65: {  	[sflag:s25] =	ssyncadd.s32 $0xFFFFF800  }
0x66: {  	[tilespmem:s12], [sflag:$0x2] =	stream.indirect.gather [spmem:s6], $0x1, s26, s29, $0xb8;
	[tilespmem:$0xB280] =	vst v63  }
0x67: {  	_ =	swait.ge [sflag:s25], $0x800  }
0x68: {  	[sflag:s25] =	ssyncset.done $0x0  }
0x69: {  	s21 =	simm.s32 $0x0;
	[sflag:s25] =	ssyncadd.s32 $0xFFFFF800  }
0x6a: {  	v8 =	vld [tilespmem:s21+$0x7180]  }
0x6b: {  	v6 =	vld [tilespmem:s21+$0x8180]  }
0x6c: {  	v7 =	vld [tilespmem:s21+$0x6980]  }
0x6d: {  	v5 =	vimm.f32 $0.0e+00;
	s14 =	simm.s32 $0x40;
	v9 =	vld [tilespmem:s21+$0x5980]  }
.LBB2_4:
0x6e: {  	p0 =	sne.s32 s14, $0x1FC0;
	v10 =	vld [tilespmem:s21+$0x7980]  }
0x6f: {  	v11 =	vld [tilespmem:s21+$0x6180]  }
0x70: {  	v13 =	vor.u32 s20, v0;
	v12 =	vld [tilespmem:s21+$0x8980]  }
0x71: {  	v14 =	vor.u32 s20, v2  }
0x72: {  	v15 =	vor.u32 s20, v3  }
0x73: {  	v8 =	vsub.f32 v8, v9;
	v9 =	vor.u32 s20, v4;
	s20 =	smov.u32 s14  }
0x74: {  	v10 =	vsub.f32 v10, v11  }
0x75: {  	v6 =	vsub.f32 v6, v7;
	v7 =	vand.u32 $0x7FFFFFFF, v8;
	[tilespmem:v13+s13+$0x0] =	vst.idx.msk $0xffff, v8  }
0x76: {  	v5 =	vmax.f32 v5, v7;
	[tilespmem:v14+s13+$0x0] =	vst.idx.msk $0xffff, v10;
	v7 =	vand.u32 $0x7FFFFFFF, v10  }
0x77: {  	[tilespmem:v15+s13+$0x0] =	vst.idx.msk $0xffff, v6;
	v5 =	vmax.f32 v5, v7;
	v6 =	vand.u32 $0x7FFFFFFF, v6  }
.Ltmp5:
0x78: {  	s21 =	sshra.s32 s14, $0x2;
	[tilespmem:v9+s13+$0x0] =	vst.idx.msk $0xffff, v12;
	v5 =	vmax.f32 v5, v6;
	(pc) =	sbr.rel @p0 .LBB2_4-.Ltmp5, $4  }
0x79: {  	v8 =	vld [tilespmem:s21+$0x7180]  }
0x7a: {  	v6 =	vld [tilespmem:s21+$0x8180]  }
0x7b: {  	v7 =	vld [tilespmem:s21+$0x6980]  }
0x7c: {  	s14 =	sadd.s32 $0x40, s14;
	v9 =	vld [tilespmem:s21+$0x5980]  }
0x7d: {  	v10 =	vld [tilespmem:s21+$0x7980]  }
0x7e: {  	v11 =	vld [tilespmem:s21+$0x6180]  }
0x7f: {  	v12 =	vor.u32 s20, v0  }
0x80: {  	v13 =	vor.u32 s20, v2  }
0x81: {  	v14 =	vor.u32 s20, v3  }
0x82: {  	v15 =	vld [tilespmem:s21+$0x8980];
	v62 =	vor.u32 s20, v4;
	v8 =	vsub.f32 v8, v9  }
0x83: {  	v10 =	vsub.f32 v10, v11  }
0x84: {  	v6 =	vsub.f32 v6, v7;
	[tilespmem:v12+s13+$0x0] =	vst.idx.msk $0xffff, v8  }
0x85: {  	[tilespmem:v13+s13+$0x0] =	vst.idx.msk $0xffff, v10  }
0x86: {  	[tilespmem:v14+s13+$0x0] =	vst.idx.msk $0xffff, v6  }
0x87: {  	[tilespmem:v62+s13+$0x0] =	vst.idx.msk $0xffff, v15  }
0x88: {  	v7 =	vld [tilespmem:$0xB180]  }
0x89: {  	v8 =	vand.u32 $0x7FFFFFFF, v8  }
0x8a: {  	v5 =	vmax.f32 v5, v8;
	v63 =	vand.u32 $0x7FFFFFFF, v10  }
0x8b: {  	v5 =	vmax.f32 v5, v63;
	v6 =	vand.u32 $0x7FFFFFFF, v6  }
0x8c: {  	v5 =	vmax.f32 v5, v6  }
0x8d: {  	s14 =	sshll.u32 s18, $0xA;
	v5 =	vmax.f32 v7, v5  }
.Ltmp6:
0x8e: {  	s14 =	sadd.s32 s3, s14;
	[tilespmem:$0xB180] =	vst v5;
	(pc) =	sbr.rel .LBB2_6-.Ltmp6, $4  }
0x8f: {  	[hbm4b:s14+s8] =	stream.linear.scatter [tilespmem:s13], [sflag:$0x1], $0x2000, $0x38;
	[tilespmem:$0xB280] =	vst v63  }
0x90: {  	_ =	swait.ge [sflag:s19], $0x2000  }
0x91: {  	[sflag:s19] =	ssyncset.done $0x0  }
0x92: {  	[sflag:s19] =	ssyncadd.s32 $0xFFFFE000  }
.LBB2_8:
0x93: {  	_ =	sfence.sel $0x180000  }
0x94: {  	[bflag:$0x0] =	sbarrier.arrive $0xFFFF  }
0x95: {  	_ =	strace $0x90000047  }
0x96: {  	s0 =	stileid.u32;
	[bflag:$0x2] =	sbarrier.arrive $0xFFFF  }
0x97: {  	p0 =	sne.s32 s0, $0x0;
	s0 =	rddreg [dreg:$0xa]  }
0x98: {  	s0 =	sadd.s32 @!p0 $0x100000, s0  }
0x99: {  	[sflag:s0] =	ssyncadd.tile.s32 @!p0 $0x1;
	_ =	shalt  }
.Lfunc_end2:
_tile_overlayer_lowered:
.L_overlay_start_2:
0x9a: {  	(tag) =	ssettag $0x2  }
0x9b: {  	s0 =	rddreg [dreg:$0x0];
	s2 =	stileid.u32  }
0x9c: {  	s1 =	rddreg [dreg:$0x1];
	p0 =	sne.s32 s2, $0x0  }
0x9d: {  	s3 =	rddreg [dreg:$0x2];
	[bflag:$0x3] =	sbarrier.arrive $0xFFFF;
	s2 =	simm.s32 @!p0 $0x1C01  }
0x9e: {  	[timem:s3], [sflag:s2] =	dma.local @!p0 [hbm:s0], s1  }
0x9f: {  	s0 =	simm.s32 @!p0 $0x1  }
0xa0: {  	_ =	swait.ge @!p0 [sflag:s0], s1  }
0xa1: {  	s1 =	ssub.s32 @!p0 $0x0, s1;
	[sflag:s0] =	ssyncset.done @!p0 $0x0  }
0xa2: {  	[sflag:s0] =	ssyncadd.s32 @!p0 s1  }
0xa3: {  	[bflag:$0x3] =	sbarrier.arrive $0xFFFF  }
0xa4: {  	_ =	shalt  }

</sc_bundles>
